<compile_context>
chip_gen: v7x
topology: tpu7x:2x2x1
jax: 0.10.2.dev20260603
libtpu: 0.0.44.dev20260713+nightly
codegen_flags: <defaults>
</compile_context>

<pallas_src>
import jax
import jax.numpy as jnp
from jax import lax
from jax.experimental import pallas as pl
from jax.experimental.pallas import tpu as pltpu

B = 2048
IN = 4096
SOMA = 1024
BR = 8
SAMP = 8
ND = SOMA * BR
SLOPE = 0.1

DBLK = 512
NB = ND // DBLK
SOMA_BLK = DBLK // BR


def _leaky(v):
    return jnp.maximum(v, SLOPE * v)


def _cast_body(x_ref, o_ref):
    o_ref[...] = x_ref[...].astype(jnp.bfloat16)


def _cast_bf16(x):
    return pl.pallas_call(
        _cast_body,
        grid=(8,),
        in_specs=[pl.BlockSpec((B // 8, IN), lambda k: (k, 0))],
        out_specs=pl.BlockSpec((B // 8, IN), lambda k: (k, 0)),
        out_shape=jax.ShapeDtypeStruct((B, IN), jnp.bfloat16),
    )(x)


def _body(idx_ref, w_ref, bias_ref, cable_ref, sbias_ref, x_ref,
          out_d_ref, out_s_ref, s_scr):
    k = pl.program_id(0)

    pre = jnp.dot(x_ref[...], s_scr[(k + 1) % 2],
                  preferred_element_type=jnp.float32)
    pre = pre + bias_ref[0]
    dact = _leaky(pre)
    out_d_ref[...] = dact

    d_iota = lax.broadcasted_iota(jnp.int32, (DBLK, SOMA_BLK), 0) >> 3
    m_iota = lax.broadcasted_iota(jnp.int32, (DBLK, SOMA_BLK), 1)
    m01 = jnp.where(d_iota == m_iota, 1.0, 0.0).astype(jnp.bfloat16)
    scaled = (dact * cable_ref[0]).astype(jnp.bfloat16)
    spre = jnp.dot(scaled, m01, preferred_element_type=jnp.float32)
    spre = spre + sbias_ref[0]
    soma = _leaky(spre)

    first_of_pair = ((k - 1) % 2) == 0
    left = jnp.where(first_of_pair, soma, out_s_ref[:, :SOMA_BLK])
    out_s_ref[...] = jnp.concatenate([left, soma], axis=1)

    idx_rows = [idx_ref[0, s, :][None, :] for s in range(SAMP)]
    w_rows = [w_ref[0, s, :][None, :] for s in range(SAMP)]
    for s in range(1, SAMP):
        taken = jnp.zeros_like(idx_rows[0], jnp.bool_)
        for e in range(s):
            m = (idx_rows[e] == idx_rows[s]) & ~taken
            w_rows[e] = w_rows[e] + jnp.where(m, w_rows[s],
                                              jnp.bfloat16(0.0))
            taken = taken | m
        w_rows[s] = jnp.where(taken, jnp.bfloat16(0.0), w_rows[s])

    row_iota = lax.broadcasted_iota(jnp.int16, (IN, DBLK), 0)
    s_acc = jnp.zeros((IN, DBLK), jnp.bfloat16)
    for s in reversed(range(SAMP)):
        hit = row_iota == idx_rows[s]
        s_acc = jnp.where(hit, w_rows[s], s_acc)
    s_scr[k % 2] = s_acc


def kernel(x, dendrite_indices, synaptic_weights, synaptic_bias,
           cable_weights, soma_bias):
    x_bf = _cast_bf16(x)
    idx_t = dendrite_indices.astype(jnp.int16).T.reshape(SAMP, NB, DBLK)
    idx_t = jnp.transpose(idx_t, (1, 0, 2))
    w_t = synaptic_weights.astype(jnp.bfloat16).T.reshape(SAMP, NB, DBLK)
    w_t = jnp.transpose(w_t, (1, 0, 2))
    bias_r = synaptic_bias.reshape(NB, 1, DBLK)
    cable_r = cable_weights.reshape(NB, 1, DBLK)
    sbias_r = soma_bias.reshape(NB, 1, SOMA_BLK)

    build = lambda k: (jnp.minimum(k, NB - 1), 0, 0)
    drain = lambda k: (jnp.maximum(k - 1, 0), 0, 0)

    grid = (NB + 1,)
    dact_flat, soma_act = pl.pallas_call(
        _body,
        grid=grid,
        in_specs=[
            pl.BlockSpec((1, SAMP, DBLK), build),
            pl.BlockSpec((1, SAMP, DBLK), build),
            pl.BlockSpec((1, 1, DBLK), drain),
            pl.BlockSpec((1, 1, DBLK), drain),
            pl.BlockSpec((1, 1, SOMA_BLK), drain),
            pl.BlockSpec((B, IN), lambda k: (0, 0)),
        ],
        out_specs=[
            pl.BlockSpec((B, DBLK), lambda k: (0, jnp.maximum(k - 1, 0))),
            pl.BlockSpec((B, 2 * SOMA_BLK),
                         lambda k: (0, jnp.maximum(k - 1, 0) // 2)),
        ],
        out_shape=[
            jax.ShapeDtypeStruct((B, ND), jnp.float32),
            jax.ShapeDtypeStruct((B, SOMA), jnp.float32),
        ],
        scratch_shapes=[pltpu.VMEM((2, IN, DBLK), jnp.bfloat16)],
    )(idx_t, w_t, bias_r, cable_r, sbias_r, x_bf)

    return soma_act, dact_flat.reshape(B, SOMA, BR)

# --- scband reference (transcript-rebuilt; emitter-appended) ---
"""Pipeline reference for scband-fixed-masked-dendrite-layer-40175124086887 (READ-ONLY COPY).

The authoritative reference and input builder live on the scoring server;
editing this copy changes nothing except your own understanding.
"""

import jax, jax.numpy as jnp
import numpy as np
import math

B = 2048
INPUT_DIM = 4096
SOMA = 1024
BRANCHES = 8
SAMP = 8
ND = SOMA * BRANCHES
NEG_SLOPE = 0.1


def setup_inputs(seed: int = 0) -> dict:
    key = jax.random.key(seed)
    ks = jax.random.split(key, 6)
    x = jax.random.normal(ks[0], (B, INPUT_DIM), dtype=jnp.float32)
    dendrite_indices = jax.random.randint(ks[1], (ND, SAMP), 0, INPUT_DIM, dtype=jnp.int64 if jax.config.read('jax_enable_x64') else jnp.int32)
    # kaiming_uniform_ with a=negative_slope, fan_in = SAMP for [ND, SAMP]
    gain = math.sqrt(2.0 / (1.0 + NEG_SLOPE ** 2))
    bound_w = gain * math.sqrt(3.0 / SAMP)
    synaptic_weights = jax.random.uniform(ks[2], (ND, SAMP), minval=-bound_w, maxval=bound_w, dtype=jnp.float32)
    bound_b = 1.0 / math.sqrt(SAMP)
    synaptic_bias = jax.random.uniform(ks[3], (ND,), minval=-bound_b, maxval=bound_b, dtype=jnp.float32)
    bound_c = gain * math.sqrt(3.0 / BRANCHES)
    cable_weights = jax.random.uniform(ks[4], (SOMA, BRANCHES), minval=-bound_c, maxval=bound_c, dtype=jnp.float32)
    bound_s = 1.0 / math.sqrt(BRANCHES)
    soma_bias = jax.random.uniform(ks[5], (SOMA,), minval=-bound_s, maxval=bound_s, dtype=jnp.float32)
    return {
        'x': x,
        'dendrite_indices': dendrite_indices,
        'synaptic_weights': synaptic_weights,
        'synaptic_bias': synaptic_bias,
        'cable_weights': cable_weights,
        'soma_bias': soma_bias,
    }


def leaky_relu(v, slope):
    return jnp.where(v >= 0, v, slope * v)


def reference(x, dendrite_indices, synaptic_weights, synaptic_bias, cable_weights, soma_bias):
    # gathered: [B, ND, SAMP] via feature-axis gather
    gathered = jnp.take(x, dendrite_indices, axis=1)
    dendritic_preact = (gathered * synaptic_weights[None, :, :]).sum(axis=-1) + synaptic_bias
    dendritic_act = leaky_relu(dendritic_preact, NEG_SLOPE)
    dendritic_act = dendritic_act.reshape(x.shape[0], SOMA, BRANCHES)
    soma_preact = (dendritic_act * cable_weights[None, :, :]).sum(axis=-1) + soma_bias
    soma_act = leaky_relu(soma_preact, NEG_SLOPE)
    return (soma_act, dendritic_act)

if __name__ == "__main__":
    import jax
    _d = setup_inputs()
    print(jax.jit(kernel)(*tuple(_d.values())))

</pallas_src>

<mosaic_0001>
module attributes {stable_mosaic.version = 14 : i64} {
  func.func @_cast_body(%arg0: i32, %arg1: memref<256x4096xf32, #tpu.memory_space<vmem>>, %arg2: memref<256x4096xbf16, #tpu.memory_space<vmem>>) attributes {dimension_semantics = [#tpu.dimension_semantics<arbitrary>], iteration_bounds = array<i64: 8>, scalar_prefetch = 0 : i64, scratch_operands = 0 : i64, tpu.core_type = #tpu.core_type<tc>, window_params = [{transform_indices = @transform_0, window_bounds = array<i64: 256, 4096>}, {transform_indices = @transform_1, window_bounds = array<i64: 256, 4096>}]} {
    %get3A = arith.constant 0 : index
    %get3A_0 = arith.constant 0 : index
    %get3A_1 = vector.load %arg1[%get3A, %get3A_0] : memref<256x4096xf32, #tpu.memory_space<vmem>>, vector<256x4096xf32>
    %convert_element_type3A = arith.truncf %get3A_1 : vector<256x4096xf32> to vector<256x4096xbf16>
    %swap3A = arith.constant 0 : index
    %swap3A_2 = arith.constant 0 : index
    %swap3A_3 = vector.load %arg2[%swap3A, %swap3A_2] : memref<256x4096xbf16, #tpu.memory_space<vmem>>, vector<256x4096xbf16>
    tpu.vector_store %arg2[%swap3A, %swap3A_2], %convert_element_type3A {strides = array<i32>} : memref<256x4096xbf16, #tpu.memory_space<vmem>>, vector<256x4096xbf16>,
    return
  }
  func.func @transform_0(%arg0: i32) -> (i32, i32) {
    %c0_i32 = arith.constant 0 : i32
    %c0_i32_0 = arith.constant 0 : i32
    return %arg0, %c0_i32 : i32, i32
  }
  func.func @transform_1(%arg0: i32) -> (i32, i32) {
    %c0_i32 = arith.constant 0 : i32
    %c0_i32_0 = arith.constant 0 : i32
    return %arg0, %c0_i32 : i32, i32
  }
}

module attributes {stable_mosaic.version = 14 : i64} {
  func.func @_body(%arg0: i32, %arg1: memref<1x8x512xi16, #tpu.memory_space<vmem>>, %arg2: memref<1x8x512xbf16, #tpu.memory_space<vmem>>, %arg3: memref<1x1x512xf32, #tpu.memory_space<vmem>>, %arg4: memref<1x1x512xf32, #tpu.memory_space<vmem>>, %arg5: memref<1x1x64xf32, #tpu.memory_space<vmem>>, %arg6: memref<2048x4096xbf16, #tpu.memory_space<vmem>>, %arg7: memref<2048x512xf32, #tpu.memory_space<vmem>>, %arg8: memref<2048x128xf32, #tpu.memory_space<vmem>>, %arg9: memref<2x4096x512xbf16, #tpu.memory_space<vmem>>) attributes {dimension_semantics = [#tpu.dimension_semantics<arbitrary>], iteration_bounds = array<i64: 17>, scalar_prefetch = 0 : i64, scratch_operands = 1 : i64, tpu.core_type = #tpu.core_type<tc>, window_params = [{transform_indices = @transform_0, window_bounds = array<i64: 1, 8, 512>}, {transform_indices = @transform_1, window_bounds = array<i64: 1, 8, 512>}, {transform_indices = @transform_2, window_bounds = array<i64: 1, 1, 512>}, {transform_indices = @transform_3, window_bounds = array<i64: 1, 1, 512>}, {transform_indices = @transform_4, window_bounds = array<i64: 1, 1, 64>}, {pipeline_mode = #tpu.pipeline_mode<synchronous>, transform_indices = @transform_5, window_bounds = array<i64: 2048, 4096>}, {transform_indices = @transform_6, window_bounds = array<i64: 2048, 512>}, {transform_indices = @transform_7, window_bounds = array<i64: 2048, 128>}]} {
    %get3A = arith.constant 0 : index
    %get3A_0 = arith.constant 0 : index
    %get3A_1 = vector.load %arg6[%get3A, %get3A_0] : memref<2048x4096xbf16, #tpu.memory_space<vmem>>, vector<2048x4096xbf16>
    %add3A = arith.constant 1 : i32
    %add3A_2 = arith.addi %arg0, %add3A : i32
    %jit3A = arith.constant 2 : i32
    %eq3A = arith.constant 0 : i32
    %eq3A_3 = arith.cmpi eq, %jit3A, %eq3A : i32
    %jit3A_4 = arith.constant 1 : i32
    %select_n3A = arith.select %eq3A_3, %jit3A_4, %jit3A : i32
    %rem3A = arith.remsi %add3A_2, %select_n3A : i32
    %ne3A = arith.constant 0 : i32
    %ne3A_5 = arith.cmpi ne, %rem3A, %ne3A : i32
    %lt3A = arith.constant 0 : i32
    %lt3A_6 = arith.cmpi slt, %rem3A, %lt3A : i32
    %lt3A_7 = arith.constant 0 : i32
    %lt3A_8 = arith.cmpi slt, %select_n3A, %lt3A_7 : i32
    %ne3A_9 = arith.xori %lt3A_6, %lt3A_8 : i1
    %and3A = arith.andi %ne3A_9, %ne3A_5 : i1
    %add3A_10 = arith.addi %rem3A, %select_n3A : i32
    %select_n3A_11 = arith.select %and3A, %add3A_10, %rem3A : i32
    %get3A_12 = arith.index_cast %select_n3A_11 : i32 to index
    %get3A_13 = arith.constant 0 : index
    %get3A_14 = arith.constant 0 : index
    %get3A_15 = vector.load %arg9[%get3A_12, %get3A_13, %get3A_14] : memref<2x4096x512xbf16, #tpu.memory_space<vmem>>, vector<1x4096x512xbf16>
    %get3A_16 = vector.shape_cast %get3A_15 : vector<1x4096x512xbf16> to vector<4096x512xbf16>
    %dot_general3A = arith.constant dense<0.000000e+00> : vector<2048x512xf32>
    %dot_general3A_17 = tpu.matmul %get3A_1, %get3A_16, %dot_general3A {dimension_numbers = #tpu.dot_dimension_numbers<[1], [0], [0], [1], [0, 0, 1, 1], [], []>, transpose_lhs_hint = false} : vector<2048x4096xbf16>, vector<4096x512xbf16>, vector<2048x512xf32> -> vector<2048x512xf32>
    %get3A_18 = arith.constant 0 : index
    %get3A_19 = arith.constant 0 : index
    %get3A_20 = arith.constant 0 : index
    %get3A_21 = vector.load %arg3[%get3A_18, %get3A_19, %get3A_20] : memref<1x1x512xf32, #tpu.memory_space<vmem>>, vector<1x1x512xf32>
    %get3A_22 = vector.shape_cast %get3A_21 : vector<1x1x512xf32> to vector<1x512xf32>
    %add3A_23 = vector.broadcast %get3A_22 : vector<1x512xf32> to vector<2048x512xf32>
    %add3A_24 = arith.addf %dot_general3A_17, %add3A_23 : vector<2048x512xf32>
    %mul3A = arith.constant 1.000000e-01 : f32
    %mul3A_25 = vector.broadcast %mul3A : f32 to vector<2048x512xf32>
    %mul3A_26 = arith.mulf %mul3A_25, %add3A_24 : vector<2048x512xf32>
    %max3A = arith.maximumf %add3A_24, %mul3A_26 : vector<2048x512xf32>
    %swap3A = arith.constant 0 : index
    %swap3A_27 = arith.constant 0 : index
    %swap3A_28 = vector.load %arg7[%swap3A, %swap3A_27] : memref<2048x512xf32, #tpu.memory_space<vmem>>, vector<2048x512xf32>
    tpu.vector_store %arg7[%swap3A, %swap3A_27], %max3A {strides = array<i32>} : memref<2048x512xf32, #tpu.memory_space<vmem>>, vector<2048x512xf32>,
    %iota3A = tpu.iota {dimensions = array<i32: 0>} : vector<512x64xi32>
    %shift_right_arithmetic3A = arith.constant 3 : i32
    %shift_right_arithmetic3A_29 = vector.broadcast %shift_right_arithmetic3A : i32 to vector<512x64xi32>
    %shift_right_arithmetic3A_30 = arith.shrsi %iota3A, %shift_right_arithmetic3A_29 : vector<512x64xi32>
    %iota3A_31 = tpu.iota {dimensions = array<i32: 1>} : vector<512x64xi32>
    %eq3A_32 = arith.cmpi eq, %shift_right_arithmetic3A_30, %iota3A_31 : vector<512x64xi32>
    %jit3A_33 = arith.constant 1.000000e+00 : f32
    %jit3A_34 = arith.constant 0.000000e+00 : f32
    %broadcast_in_dim3A = vector.broadcast %jit3A_33 : f32 to vector<512x64xf32>
    %broadcast_in_dim3A_35 = vector.broadcast %jit3A_34 : f32 to vector<512x64xf32>
    %select_n3A_36 = arith.select %eq3A_32, %broadcast_in_dim3A, %broadcast_in_dim3A_35 : vector<512x64xi1>, vector<512x64xf32>
    %convert_element_type3A = arith.truncf %select_n3A_36 : vector<512x64xf32> to vector<512x64xbf16>
    %get3A_37 = arith.constant 0 : index
    %get3A_38 = arith.constant 0 : index
    %get3A_39 = arith.constant 0 : index
    %get3A_40 = vector.load %arg4[%get3A_37, %get3A_38, %get3A_39] : memref<1x1x512xf32, #tpu.memory_space<vmem>>, vector<1x1x512xf32>
    %get3A_41 = vector.shape_cast %get3A_40 : vector<1x1x512xf32> to vector<1x512xf32>
    %mul3A_42 = vector.broadcast %get3A_41 : vector<1x512xf32> to vector<2048x512xf32>
    %mul3A_43 = arith.mulf %max3A, %mul3A_42 : vector<2048x512xf32>
    %convert_element_type3A_44 = arith.truncf %mul3A_43 : vector<2048x512xf32> to vector<2048x512xbf16>
    %dot_general3A_45 = arith.constant dense<0.000000e+00> : vector<2048x64xf32>
    %dot_general3A_46 = tpu.matmul %convert_element_type3A_44, %convert_element_type3A, %dot_general3A_45 {dimension_numbers = #tpu.dot_dimension_numbers<[1], [0], [0], [1], [0, 0, 1, 1], [], []>, transpose_lhs_hint = false} : vector<2048x512xbf16>, vector<512x64xbf16>, vector<2048x64xf32> -> vector<2048x64xf32>
    %get3A_47 = arith.constant 0 : index
    %get3A_48 = arith.constant 0 : index
    %get3A_49 = arith.constant 0 : index
    %get3A_50 = vector.load %arg5[%get3A_47, %get3A_48, %get3A_49] : memref<1x1x64xf32, #tpu.memory_space<vmem>>, vector<1x1x64xf32>
    %get3A_51 = vector.shape_cast %get3A_50 : vector<1x1x64xf32> to vector<1x64xf32>
    %add3A_52 = vector.broadcast %get3A_51 : vector<1x64xf32> to vector<2048x64xf32>
    %add3A_53 = arith.addf %dot_general3A_46, %add3A_52 : vector<2048x64xf32>
    %mul3A_54 = arith.constant 1.000000e-01 : f32
    %mul3A_55 = vector.broadcast %mul3A_54 : f32 to vector<2048x64xf32>
    %mul3A_56 = arith.mulf %mul3A_55, %add3A_53 : vector<2048x64xf32>
    %max3A_57 = arith.maximumf %add3A_53, %mul3A_56 : vector<2048x64xf32>
    %sub3A = arith.constant 1 : i32
    %sub3A_58 = arith.subi %arg0, %sub3A : i32
    %jit3A_59 = arith.constant 2 : i32
    %eq3A_60 = arith.constant 0 : i32
    %eq3A_61 = arith.cmpi eq, %jit3A_59, %eq3A_60 : i32
    %jit3A_62 = arith.constant 1 : i32
    %select_n3A_63 = arith.select %eq3A_61, %jit3A_62, %jit3A_59 : i32
    %rem3A_64 = arith.remsi %sub3A_58, %select_n3A_63 : i32
    %ne3A_65 = arith.constant 0 : i32
    %ne3A_66 = arith.cmpi ne, %rem3A_64, %ne3A_65 : i32
    %lt3A_67 = arith.constant 0 : i32
    %lt3A_68 = arith.cmpi slt, %rem3A_64, %lt3A_67 : i32
    %lt3A_69 = arith.constant 0 : i32
    %lt3A_70 = arith.cmpi slt, %select_n3A_63, %lt3A_69 : i32
    %ne3A_71 = arith.xori %lt3A_68, %lt3A_70 : i1
    %and3A_72 = arith.andi %ne3A_71, %ne3A_66 : i1
    %add3A_73 = arith.addi %rem3A_64, %select_n3A_63 : i32
    %select_n3A_74 = arith.select %and3A_72, %add3A_73, %rem3A_64 : i32
    %eq3A_75 = arith.constant 0 : i32
    %eq3A_76 = arith.cmpi eq, %select_n3A_74, %eq3A_75 : i32
    %get3A_77 = arith.constant 0 : index
    %get3A_78 = arith.constant 0 : index
    %get3A_79 = vector.load %arg8[%get3A_77, %get3A_78] : memref<2048x128xf32, #tpu.memory_space<vmem>>, vector<2048x64xf32>
    %select_n3A_80 = arith.select %eq3A_76, %max3A_57, %get3A_79 : vector<2048x64xf32>
    %concatenate3A = tpu.concatenate %select_n3A_80, %max3A_57 in 1 : vector<2048x64xf32>, vector<2048x64xf32> -> vector<2048x128xf32>
    %swap3A_81 = arith.constant 0 : index
    %swap3A_82 = arith.constant 0 : index
    %swap3A_83 = vector.load %arg8[%swap3A_81, %swap3A_82] : memref<2048x128xf32, #tpu.memory_space<vmem>>, vector<2048x128xf32>
    tpu.vector_store %arg8[%swap3A_81, %swap3A_82], %concatenate3A {strides = array<i32>} : memref<2048x128xf32, #tpu.memory_space<vmem>>, vector<2048x128xf32>,
    %get3A_84 = arith.constant 0 : index
    %get3A_85 = arith.constant 0 : index
    %get3A_86 = arith.constant 0 : index
    %get3A_87 = vector.load %arg1[%get3A_84, %get3A_85, %get3A_86] : memref<1x8x512xi16, #tpu.memory_space<vmem>>, vector<1x1x512xi16>
    %get3A_88 = vector.shape_cast %get3A_87 : vector<1x1x512xi16> to vector<512xi16>
    %broadcast_in_dim3A_89 = vector.shape_cast %get3A_88 : vector<512xi16> to vector<1x512xi16>
    %get3A_90 = arith.constant 0 : index
    %get3A_91 = arith.constant 1 : index
    %get3A_92 = arith.constant 0 : index
    %get3A_93 = vector.load %arg1[%get3A_90, %get3A_91, %get3A_92] : memref<1x8x512xi16, #tpu.memory_space<vmem>>, vector<1x1x512xi16>
    %get3A_94 = vector.shape_cast %get3A_93 : vector<1x1x512xi16> to vector<512xi16>
    %broadcast_in_dim3A_95 = vector.shape_cast %get3A_94 : vector<512xi16> to vector<1x512xi16>
    %get3A_96 = arith.constant 0 : index
    %get3A_97 = arith.constant 2 : index
    %get3A_98 = arith.constant 0 : index
    %get3A_99 = vector.load %arg1[%get3A_96, %get3A_97, %get3A_98] : memref<1x8x512xi16, #tpu.memory_space<vmem>>, vector<1x1x512xi16>
    %get3A_100 = vector.shape_cast %get3A_99 : vector<1x1x512xi16> to vector<512xi16>
    %broadcast_in_dim3A_101 = vector.shape_cast %get3A_100 : vector<512xi16> to vector<1x512xi16>
    %get3A_102 = arith.constant 0 : index
    %get3A_103 = arith.constant 3 : index
    %get3A_104 = arith.constant 0 : index
    %get3A_105 = vector.load %arg1[%get3A_102, %get3A_103, %get3A_104] : memref<1x8x512xi16, #tpu.memory_space<vmem>>, vector<1x1x512xi16>
    %get3A_106 = vector.shape_cast %get3A_105 : vector<1x1x512xi16> to vector<512xi16>
    %broadcast_in_dim3A_107 = vector.shape_cast %get3A_106 : vector<512xi16> to vector<1x512xi16>
    %get3A_108 = arith.constant 0 : index
    %get3A_109 = arith.constant 4 : index
    %get3A_110 = arith.constant 0 : index
    %get3A_111 = vector.load %arg1[%get3A_108, %get3A_109, %get3A_110] : memref<1x8x512xi16, #tpu.memory_space<vmem>>, vector<1x1x512xi16>
    %get3A_112 = vector.shape_cast %get3A_111 : vector<1x1x512xi16> to vector<512xi16>
    %broadcast_in_dim3A_113 = vector.shape_cast %get3A_112 : vector<512xi16> to vector<1x512xi16>
    %get3A_114 = arith.constant 0 : index
    %get3A_115 = arith.constant 5 : index
    %get3A_116 = arith.constant 0 : index
    %get3A_117 = vector.load %arg1[%get3A_114, %get3A_115, %get3A_116] : memref<1x8x512xi16, #tpu.memory_space<vmem>>, vector<1x1x512xi16>
    %get3A_118 = vector.shape_cast %get3A_117 : vector<1x1x512xi16> to vector<512xi16>
    %broadcast_in_dim3A_119 = vector.shape_cast %get3A_118 : vector<512xi16> to vector<1x512xi16>
    %get3A_120 = arith.constant 0 : index
    %get3A_121 = arith.constant 6 : index
    %get3A_122 = arith.constant 0 : index
    %get3A_123 = vector.load %arg1[%get3A_120, %get3A_121, %get3A_122] : memref<1x8x512xi16, #tpu.memory_space<vmem>>, vector<1x1x512xi16>
    %get3A_124 = vector.shape_cast %get3A_123 : vector<1x1x512xi16> to vector<512xi16>
    %broadcast_in_dim3A_125 = vector.shape_cast %get3A_124 : vector<512xi16> to vector<1x512xi16>
    %get3A_126 = arith.constant 0 : index
    %get3A_127 = arith.constant 7 : index
    %get3A_128 = arith.constant 0 : index
    %get3A_129 = vector.load %arg1[%get3A_126, %get3A_127, %get3A_128] : memref<1x8x512xi16, #tpu.memory_space<vmem>>, vector<1x1x512xi16>
    %get3A_130 = vector.shape_cast %get3A_129 : vector<1x1x512xi16> to vector<512xi16>
    %broadcast_in_dim3A_131 = vector.shape_cast %get3A_130 : vector<512xi16> to vector<1x512xi16>
    %get3A_132 = arith.constant 0 : index
    %get3A_133 = arith.constant 0 : index
    %get3A_134 = arith.constant 0 : index
    %get3A_135 = vector.load %arg2[%get3A_132, %get3A_133, %get3A_134] : memref<1x8x512xbf16, #tpu.memory_space<vmem>>, vector<1x1x512xbf16>
    %get3A_136 = vector.shape_cast %get3A_135 : vector<1x1x512xbf16> to vector<512xbf16>
    %broadcast_in_dim3A_137 = vector.shape_cast %get3A_136 : vector<512xbf16> to vector<1x512xbf16>
    %get3A_138 = arith.constant 0 : index
    %get3A_139 = arith.constant 1 : index
    %get3A_140 = arith.constant 0 : index
    %get3A_141 = vector.load %arg2[%get3A_138, %get3A_139, %get3A_140] : memref<1x8x512xbf16, #tpu.memory_space<vmem>>, vector<1x1x512xbf16>
    %get3A_142 = vector.shape_cast %get3A_141 : vector<1x1x512xbf16> to vector<512xbf16>
    %broadcast_in_dim3A_143 = vector.shape_cast %get3A_142 : vector<512xbf16> to vector<1x512xbf16>
    %get3A_144 = arith.constant 0 : index
    %get3A_145 = arith.constant 2 : index
    %get3A_146 = arith.constant 0 : index
    %get3A_147 = vector.load %arg2[%get3A_144, %get3A_145, %get3A_146] : memref<1x8x512xbf16, #tpu.memory_space<vmem>>, vector<1x1x512xbf16>
    %get3A_148 = vector.shape_cast %get3A_147 : vector<1x1x512xbf16> to vector<512xbf16>
    %broadcast_in_dim3A_149 = vector.shape_cast %get3A_148 : vector<512xbf16> to vector<1x512xbf16>
    %get3A_150 = arith.constant 0 : index
    %get3A_151 = arith.constant 3 : index
    %get3A_152 = arith.constant 0 : index
    %get3A_153 = vector.load %arg2[%get3A_150, %get3A_151, %get3A_152] : memref<1x8x512xbf16, #tpu.memory_space<vmem>>, vector<1x1x512xbf16>
    %get3A_154 = vector.shape_cast %get3A_153 : vector<1x1x512xbf16> to vector<512xbf16>
    %broadcast_in_dim3A_155 = vector.shape_cast %get3A_154 : vector<512xbf16> to vector<1x512xbf16>
    %get3A_156 = arith.constant 0 : index
    %get3A_157 = arith.constant 4 : index
    %get3A_158 = arith.constant 0 : index
    %get3A_159 = vector.load %arg2[%get3A_156, %get3A_157, %get3A_158] : memref<1x8x512xbf16, #tpu.memory_space<vmem>>, vector<1x1x512xbf16>
    %get3A_160 = vector.shape_cast %get3A_159 : vector<1x1x512xbf16> to vector<512xbf16>
    %broadcast_in_dim3A_161 = vector.shape_cast %get3A_160 : vector<512xbf16> to vector<1x512xbf16>
    %get3A_162 = arith.constant 0 : index
    %get3A_163 = arith.constant 5 : index
    %get3A_164 = arith.constant 0 : index
    %get3A_165 = vector.load %arg2[%get3A_162, %get3A_163, %get3A_164] : memref<1x8x512xbf16, #tpu.memory_space<vmem>>, vector<1x1x512xbf16>
    %get3A_166 = vector.shape_cast %get3A_165 : vector<1x1x512xbf16> to vector<512xbf16>
    %broadcast_in_dim3A_167 = vector.shape_cast %get3A_166 : vector<512xbf16> to vector<1x512xbf16>
    %get3A_168 = arith.constant 0 : index
    %get3A_169 = arith.constant 6 : index
    %get3A_170 = arith.constant 0 : index
    %get3A_171 = vector.load %arg2[%get3A_168, %get3A_169, %get3A_170] : memref<1x8x512xbf16, #tpu.memory_space<vmem>>, vector<1x1x512xbf16>
    %get3A_172 = vector.shape_cast %get3A_171 : vector<1x1x512xbf16> to vector<512xbf16>
    %broadcast_in_dim3A_173 = vector.shape_cast %get3A_172 : vector<512xbf16> to vector<1x512xbf16>
    %get3A_174 = arith.constant 0 : index
    %get3A_175 = arith.constant 7 : index
    %get3A_176 = arith.constant 0 : index
    %get3A_177 = vector.load %arg2[%get3A_174, %get3A_175, %get3A_176] : memref<1x8x512xbf16, #tpu.memory_space<vmem>>, vector<1x1x512xbf16>
    %get3A_178 = vector.shape_cast %get3A_177 : vector<1x1x512xbf16> to vector<512xbf16>
    %broadcast_in_dim3A_179 = vector.shape_cast %get3A_178 : vector<512xbf16> to vector<1x512xbf16>
    %broadcast_in_dim3A_180 = arith.constant false
    %broadcast_in_dim3A_181 = vector.broadcast %broadcast_in_dim3A_180 : i1 to vector<1x512xi1>
    %eq3A_182 = arith.cmpi eq, %broadcast_in_dim3A_89, %broadcast_in_dim3A_95 : vector<1x512xi16>
    %not3A = arith.constant dense<true> : vector<1x512xi1>
    %not3A_183 = arith.xori %broadcast_in_dim3A_181, %not3A : vector<1x512xi1>
    %and3A_184 = arith.andi %eq3A_182, %not3A_183 : vector<1x512xi1>
    %jit3A_185 = arith.constant 0.000000e+00 : bf16
    %broadcast_in_dim3A_186 = vector.broadcast %jit3A_185 : bf16 to vector<1x512xbf16>
    %select_n3A_187 = arith.select %and3A_184, %broadcast_in_dim3A_143, %broadcast_in_dim3A_186 : vector<1x512xi1>, vector<1x512xbf16>
    %add3A_188 = arith.addf %broadcast_in_dim3A_137, %select_n3A_187 : vector<1x512xbf16>
    %or3A = arith.ori %broadcast_in_dim3A_181, %and3A_184 : vector<1x512xi1>
    %jit3A_189 = arith.constant 0.000000e+00 : bf16
    %broadcast_in_dim3A_190 = vector.broadcast %jit3A_189 : bf16 to vector<1x512xbf16>
    %select_n3A_191 = arith.select %or3A, %broadcast_in_dim3A_190, %broadcast_in_dim3A_143 : vector<1x512xi1>, vector<1x512xbf16>
    %broadcast_in_dim3A_192 = arith.constant false
    %broadcast_in_dim3A_193 = vector.broadcast %broadcast_in_dim3A_192 : i1 to vector<1x512xi1>
    %eq3A_194 = arith.cmpi eq, %broadcast_in_dim3A_89, %broadcast_in_dim3A_101 : vector<1x512xi16>
    %not3A_195 = arith.constant dense<true> : vector<1x512xi1>
    %not3A_196 = arith.xori %broadcast_in_dim3A_193, %not3A_195 : vector<1x512xi1>
    %and3A_197 = arith.andi %eq3A_194, %not3A_196 : vector<1x512xi1>
    %jit3A_198 = arith.constant 0.000000e+00 : bf16
    %broadcast_in_dim3A_199 = vector.broadcast %jit3A_198 : bf16 to vector<1x512xbf16>
    %select_n3A_200 = arith.select %and3A_197, %broadcast_in_dim3A_149, %broadcast_in_dim3A_199 : vector<1x512xi1>, vector<1x512xbf16>
    %add3A_201 = arith.addf %add3A_188, %select_n3A_200 : vector<1x512xbf16>
    %or3A_202 = arith.ori %broadcast_in_dim3A_193, %and3A_197 : vector<1x512xi1>
    %eq3A_203 = arith.cmpi eq, %broadcast_in_dim3A_95, %broadcast_in_dim3A_101 : vector<1x512xi16>
    %not3A_204 = arith.constant dense<true> : vector<1x512xi1>
    %not3A_205 = arith.xori %or3A_202, %not3A_204 : vector<1x512xi1>
    %and3A_206 = arith.andi %eq3A_203, %not3A_205 : vector<1x512xi1>
    %jit3A_207 = arith.constant 0.000000e+00 : bf16
    %broadcast_in_dim3A_208 = vector.broadcast %jit3A_207 : bf16 to vector<1x512xbf16>
    %select_n3A_209 = arith.select %and3A_206, %broadcast_in_dim3A_149, %broadcast_in_dim3A_208 : vector<1x512xi1>, vector<1x512xbf16>
    %add3A_210 = arith.addf %select_n3A_191, %select_n3A_209 : vector<1x512xbf16>
    %or3A_211 = arith.ori %or3A_202, %and3A_206 : vector<1x512xi1>
    %jit3A_212 = arith.constant 0.000000e+00 : bf16
    %broadcast_in_dim3A_213 = vector.broadcast %jit3A_212 : bf16 to vector<1x512xbf16>
    %select_n3A_214 = arith.select %or3A_211, %broadcast_in_dim3A_213, %broadcast_in_dim3A_149 : vector<1x512xi1>, vector<1x512xbf16>
    %broadcast_in_dim3A_215 = arith.constant false
    %broadcast_in_dim3A_216 = vector.broadcast %broadcast_in_dim3A_215 : i1 to vector<1x512xi1>
    %eq3A_217 = arith.cmpi eq, %broadcast_in_dim3A_89, %broadcast_in_dim3A_107 : vector<1x512xi16>
    %not3A_218 = arith.constant dense<true> : vector<1x512xi1>
    %not3A_219 = arith.xori %broadcast_in_dim3A_216, %not3A_218 : vector<1x512xi1>
    %and3A_220 = arith.andi %eq3A_217, %not3A_219 : vector<1x512xi1>
    %jit3A_221 = arith.constant 0.000000e+00 : bf16
    %broadcast_in_dim3A_222 = vector.broadcast %jit3A_221 : bf16 to vector<1x512xbf16>
    %select_n3A_223 = arith.select %and3A_220, %broadcast_in_dim3A_155, %broadcast_in_dim3A_222 : vector<1x512xi1>, vector<1x512xbf16>
    %add3A_224 = arith.addf %add3A_201, %select_n3A_223 : vector<1x512xbf16>
    %or3A_225 = arith.ori %broadcast_in_dim3A_216, %and3A_220 : vector<1x512xi1>
    %eq3A_226 = arith.cmpi eq, %broadcast_in_dim3A_95, %broadcast_in_dim3A_107 : vector<1x512xi16>
    %not3A_227 = arith.constant dense<true> : vector<1x512xi1>
    %not3A_228 = arith.xori %or3A_225, %not3A_227 : vector<1x512xi1>
    %and3A_229 = arith.andi %eq3A_226, %not3A_228 : vector<1x512xi1>
    %jit3A_230 = arith.constant 0.000000e+00 : bf16
    %broadcast_in_dim3A_231 = vector.broadcast %jit3A_230 : bf16 to vector<1x512xbf16>
    %select_n3A_232 = arith.select %and3A_229, %broadcast_in_dim3A_155, %broadcast_in_dim3A_231 : vector<1x512xi1>, vector<1x512xbf16>
    %add3A_233 = arith.addf %add3A_210, %select_n3A_232 : vector<1x512xbf16>
    %or3A_234 = arith.ori %or3A_225, %and3A_229 : vector<1x512xi1>
    %eq3A_235 = arith.cmpi eq, %broadcast_in_dim3A_101, %broadcast_in_dim3A_107 : vector<1x512xi16>
    %not3A_236 = arith.constant dense<true> : vector<1x512xi1>
    %not3A_237 = arith.xori %or3A_234, %not3A_236 : vector<1x512xi1>
    %and3A_238 = arith.andi %eq3A_235, %not3A_237 : vector<1x512xi1>
    %jit3A_239 = arith.constant 0.000000e+00 : bf16
    %broadcast_in_dim3A_240 = vector.broadcast %jit3A_239 : bf16 to vector<1x512xbf16>
    %select_n3A_241 = arith.select %and3A_238, %broadcast_in_dim3A_155, %broadcast_in_dim3A_240 : vector<1x512xi1>, vector<1x512xbf16>
    %add3A_242 = arith.addf %select_n3A_214, %select_n3A_241 : vector<1x512xbf16>
    %or3A_243 = arith.ori %or3A_234, %and3A_238 : vector<1x512xi1>
    %jit3A_244 = arith.constant 0.000000e+00 : bf16
    %broadcast_in_dim3A_245 = vector.broadcast %jit3A_244 : bf16 to vector<1x512xbf16>
    %select_n3A_246 = arith.select %or3A_243, %broadcast_in_dim3A_245, %broadcast_in_dim3A_155 : vector<1x512xi1>, vector<1x512xbf16>
    %broadcast_in_dim3A_247 = arith.constant false
    %broadcast_in_dim3A_248 = vector.broadcast %broadcast_in_dim3A_247 : i1 to vector<1x512xi1>
    %eq3A_249 = arith.cmpi eq, %broadcast_in_dim3A_89, %broadcast_in_dim3A_113 : vector<1x512xi16>
    %not3A_250 = arith.constant dense<true> : vector<1x512xi1>
    %not3A_251 = arith.xori %broadcast_in_dim3A_248, %not3A_250 : vector<1x512xi1>
    %and3A_252 = arith.andi %eq3A_249, %not3A_251 : vector<1x512xi1>
    %jit3A_253 = arith.constant 0.000000e+00 : bf16
    %broadcast_in_dim3A_254 = vector.broadcast %jit3A_253 : bf16 to vector<1x512xbf16>
    %select_n3A_255 = arith.select %and3A_252, %broadcast_in_dim3A_161, %broadcast_in_dim3A_254 : vector<1x512xi1>, vector<1x512xbf16>
    %add3A_256 = arith.addf %add3A_224, %select_n3A_255 : vector<1x512xbf16>
    %or3A_257 = arith.ori %broadcast_in_dim3A_248, %and3A_252 : vector<1x512xi1>
    %eq3A_258 = arith.cmpi eq, %broadcast_in_dim3A_95, %broadcast_in_dim3A_113 : vector<1x512xi16>
    %not3A_259 = arith.constant dense<true> : vector<1x512xi1>
    %not3A_260 = arith.xori %or3A_257, %not3A_259 : vector<1x512xi1>
    %and3A_261 = arith.andi %eq3A_258, %not3A_260 : vector<1x512xi1>
    %jit3A_262 = arith.constant 0.000000e+00 : bf16
    %broadcast_in_dim3A_263 = vector.broadcast %jit3A_262 : bf16 to vector<1x512xbf16>
    %select_n3A_264 = arith.select %and3A_261, %broadcast_in_dim3A_161, %broadcast_in_dim3A_263 : vector<1x512xi1>, vector<1x512xbf16>
    %add3A_265 = arith.addf %add3A_233, %select_n3A_264 : vector<1x512xbf16>
    %or3A_266 = arith.ori %or3A_257, %and3A_261 : vector<1x512xi1>
    %eq3A_267 = arith.cmpi eq, %broadcast_in_dim3A_101, %broadcast_in_dim3A_113 : vector<1x512xi16>
    %not3A_268 = arith.constant dense<true> : vector<1x512xi1>
    %not3A_269 = arith.xori %or3A_266, %not3A_268 : vector<1x512xi1>
    %and3A_270 = arith.andi %eq3A_267, %not3A_269 : vector<1x512xi1>
    %jit3A_271 = arith.constant 0.000000e+00 : bf16
    %broadcast_in_dim3A_272 = vector.broadcast %jit3A_271 : bf16 to vector<1x512xbf16>
    %select_n3A_273 = arith.select %and3A_270, %broadcast_in_dim3A_161, %broadcast_in_dim3A_272 : vector<1x512xi1>, vector<1x512xbf16>
    %add3A_274 = arith.addf %add3A_242, %select_n3A_273 : vector<1x512xbf16>
    %or3A_275 = arith.ori %or3A_266, %and3A_270 : vector<1x512xi1>
    %eq3A_276 = arith.cmpi eq, %broadcast_in_dim3A_107, %broadcast_in_dim3A_113 : vector<1x512xi16>
    %not3A_277 = arith.constant dense<true> : vector<1x512xi1>
    %not3A_278 = arith.xori %or3A_275, %not3A_277 : vector<1x512xi1>
    %and3A_279 = arith.andi %eq3A_276, %not3A_278 : vector<1x512xi1>
    %jit3A_280 = arith.constant 0.000000e+00 : bf16
    %broadcast_in_dim3A_281 = vector.broadcast %jit3A_280 : bf16 to vector<1x512xbf16>
    %select_n3A_282 = arith.select %and3A_279, %broadcast_in_dim3A_161, %broadcast_in_dim3A_281 : vector<1x512xi1>, vector<1x512xbf16>
    %add3A_283 = arith.addf %select_n3A_246, %select_n3A_282 : vector<1x512xbf16>
    %or3A_284 = arith.ori %or3A_275, %and3A_279 : vector<1x512xi1>
    %jit3A_285 = arith.constant 0.000000e+00 : bf16
    %broadcast_in_dim3A_286 = vector.broadcast %jit3A_285 : bf16 to vector<1x512xbf16>
    %select_n3A_287 = arith.select %or3A_284, %broadcast_in_dim3A_286, %broadcast_in_dim3A_161 : vector<1x512xi1>, vector<1x512xbf16>
    %broadcast_in_dim3A_288 = arith.constant false
    %broadcast_in_dim3A_289 = vector.broadcast %broadcast_in_dim3A_288 : i1 to vector<1x512xi1>
    %eq3A_290 = arith.cmpi eq, %broadcast_in_dim3A_89, %broadcast_in_dim3A_119 : vector<1x512xi16>
    %not3A_291 = arith.constant dense<true> : vector<1x512xi1>
    %not3A_292 = arith.xori %broadcast_in_dim3A_289, %not3A_291 : vector<1x512xi1>
    %and3A_293 = arith.andi %eq3A_290, %not3A_292 : vector<1x512xi1>
    %jit3A_294 = arith.constant 0.000000e+00 : bf16
    %broadcast_in_dim3A_295 = vector.broadcast %jit3A_294 : bf16 to vector<1x512xbf16>
    %select_n3A_296 = arith.select %and3A_293, %broadcast_in_dim3A_167, %broadcast_in_dim3A_295 : vector<1x512xi1>, vector<1x512xbf16>
    %add3A_297 = arith.addf %add3A_256, %select_n3A_296 : vector<1x512xbf16>
    %or3A_298 = arith.ori %broadcast_in_dim3A_289, %and3A_293 : vector<1x512xi1>
    %eq3A_299 = arith.cmpi eq, %broadcast_in_dim3A_95, %broadcast_in_dim3A_119 : vector<1x512xi16>
    %not3A_300 = arith.constant dense<true> : vector<1x512xi1>
    %not3A_301 = arith.xori %or3A_298, %not3A_300 : vector<1x512xi1>
    %and3A_302 = arith.andi %eq3A_299, %not3A_301 : vector<1x512xi1>
    %jit3A_303 = arith.constant 0.000000e+00 : bf16
    %broadcast_in_dim3A_304 = vector.broadcast %jit3A_303 : bf16 to vector<1x512xbf16>
    %select_n3A_305 = arith.select %and3A_302, %broadcast_in_dim3A_167, %broadcast_in_dim3A_304 : vector<1x512xi1>, vector<1x512xbf16>
    %add3A_306 = arith.addf %add3A_265, %select_n3A_305 : vector<1x512xbf16>
    %or3A_307 = arith.ori %or3A_298, %and3A_302 : vector<1x512xi1>
    %eq3A_308 = arith.cmpi eq, %broadcast_in_dim3A_101, %broadcast_in_dim3A_119 : vector<1x512xi16>
    %not3A_309 = arith.constant dense<true> : vector<1x512xi1>
    %not3A_310 = arith.xori %or3A_307, %not3A_309 : vector<1x512xi1>
    %and3A_311 = arith.andi %eq3A_308, %not3A_310 : vector<1x512xi1>
    %jit3A_312 = arith.constant 0.000000e+00 : bf16
    %broadcast_in_dim3A_313 = vector.broadcast %jit3A_312 : bf16 to vector<1x512xbf16>
    %select_n3A_314 = arith.select %and3A_311, %broadcast_in_dim3A_167, %broadcast_in_dim3A_313 : vector<1x512xi1>, vector<1x512xbf16>
    %add3A_315 = arith.addf %add3A_274, %select_n3A_314 : vector<1x512xbf16>
    %or3A_316 = arith.ori %or3A_307, %and3A_311 : vector<1x512xi1>
    %eq3A_317 = arith.cmpi eq, %broadcast_in_dim3A_107, %broadcast_in_dim3A_119 : vector<1x512xi16>
    %not3A_318 = arith.constant dense<true> : vector<1x512xi1>
    %not3A_319 = arith.xori %or3A_316, %not3A_318 : vector<1x512xi1>
    %and3A_320 = arith.andi %eq3A_317, %not3A_319 : vector<1x512xi1>
    %jit3A_321 = arith.constant 0.000000e+00 : bf16
    %broadcast_in_dim3A_322 = vector.broadcast %jit3A_321 : bf16 to vector<1x512xbf16>
    %select_n3A_323 = arith.select %and3A_320, %broadcast_in_dim3A_167, %broadcast_in_dim3A_322 : vector<1x512xi1>, vector<1x512xbf16>
    %add3A_324 = arith.addf %add3A_283, %select_n3A_323 : vector<1x512xbf16>
    %or3A_325 = arith.ori %or3A_316, %and3A_320 : vector<1x512xi1>
    %eq3A_326 = arith.cmpi eq, %broadcast_in_dim3A_113, %broadcast_in_dim3A_119 : vector<1x512xi16>
    %not3A_327 = arith.constant dense<true> : vector<1x512xi1>
    %not3A_328 = arith.xori %or3A_325, %not3A_327 : vector<1x512xi1>
    %and3A_329 = arith.andi %eq3A_326, %not3A_328 : vector<1x512xi1>
    %jit3A_330 = arith.constant 0.000000e+00 : bf16
    %broadcast_in_dim3A_331 = vector.broadcast %jit3A_330 : bf16 to vector<1x512xbf16>
    %select_n3A_332 = arith.select %and3A_329, %broadcast_in_dim3A_167, %broadcast_in_dim3A_331 : vector<1x512xi1>, vector<1x512xbf16>
    %add3A_333 = arith.addf %select_n3A_287, %select_n3A_332 : vector<1x512xbf16>
    %or3A_334 = arith.ori %or3A_325, %and3A_329 : vector<1x512xi1>
    %jit3A_335 = arith.constant 0.000000e+00 : bf16
    %broadcast_in_dim3A_336 = vector.broadcast %jit3A_335 : bf16 to vector<1x512xbf16>
    %select_n3A_337 = arith.select %or3A_334, %broadcast_in_dim3A_336, %broadcast_in_dim3A_167 : vector<1x512xi1>, vector<1x512xbf16>
    %broadcast_in_dim3A_338 = arith.constant false
    %broadcast_in_dim3A_339 = vector.broadcast %broadcast_in_dim3A_338 : i1 to vector<1x512xi1>
    %eq3A_340 = arith.cmpi eq, %broadcast_in_dim3A_89, %broadcast_in_dim3A_125 : vector<1x512xi16>
    %not3A_341 = arith.constant dense<true> : vector<1x512xi1>
    %not3A_342 = arith.xori %broadcast_in_dim3A_339, %not3A_341 : vector<1x512xi1>
    %and3A_343 = arith.andi %eq3A_340, %not3A_342 : vector<1x512xi1>
    %jit3A_344 = arith.constant 0.000000e+00 : bf16
    %broadcast_in_dim3A_345 = vector.broadcast %jit3A_344 : bf16 to vector<1x512xbf16>
    %select_n3A_346 = arith.select %and3A_343, %broadcast_in_dim3A_173, %broadcast_in_dim3A_345 : vector<1x512xi1>, vector<1x512xbf16>
    %add3A_347 = arith.addf %add3A_297, %select_n3A_346 : vector<1x512xbf16>
    %or3A_348 = arith.ori %broadcast_in_dim3A_339, %and3A_343 : vector<1x512xi1>
    %eq3A_349 = arith.cmpi eq, %broadcast_in_dim3A_95, %broadcast_in_dim3A_125 : vector<1x512xi16>
    %not3A_350 = arith.constant dense<true> : vector<1x512xi1>
    %not3A_351 = arith.xori %or3A_348, %not3A_350 : vector<1x512xi1>
    %and3A_352 = arith.andi %eq3A_349, %not3A_351 : vector<1x512xi1>
    %jit3A_353 = arith.constant 0.000000e+00 : bf16
    %broadcast_in_dim3A_354 = vector.broadcast %jit3A_353 : bf16 to vector<1x512xbf16>
    %select_n3A_355 = arith.select %and3A_352, %broadcast_in_dim3A_173, %broadcast_in_dim3A_354 : vector<1x512xi1>, vector<1x512xbf16>
    %add3A_356 = arith.addf %add3A_306, %select_n3A_355 : vector<1x512xbf16>
    %or3A_357 = arith.ori %or3A_348, %and3A_352 : vector<1x512xi1>
    %eq3A_358 = arith.cmpi eq, %broadcast_in_dim3A_101, %broadcast_in_dim3A_125 : vector<1x512xi16>
    %not3A_359 = arith.constant dense<true> : vector<1x512xi1>
    %not3A_360 = arith.xori %or3A_357, %not3A_359 : vector<1x512xi1>
    %and3A_361 = arith.andi %eq3A_358, %not3A_360 : vector<1x512xi1>
    %jit3A_362 = arith.constant 0.000000e+00 : bf16
    %broadcast_in_dim3A_363 = vector.broadcast %jit3A_362 : bf16 to vector<1x512xbf16>
    %select_n3A_364 = arith.select %and3A_361, %broadcast_in_dim3A_173, %broadcast_in_dim3A_363 : vector<1x512xi1>, vector<1x512xbf16>
    %add3A_365 = arith.addf %add3A_315, %select_n3A_364 : vector<1x512xbf16>
    %or3A_366 = arith.ori %or3A_357, %and3A_361 : vector<1x512xi1>
    %eq3A_367 = arith.cmpi eq, %broadcast_in_dim3A_107, %broadcast_in_dim3A_125 : vector<1x512xi16>
    %not3A_368 = arith.constant dense<true> : vector<1x512xi1>
    %not3A_369 = arith.xori %or3A_366, %not3A_368 : vector<1x512xi1>
    %and3A_370 = arith.andi %eq3A_367, %not3A_369 : vector<1x512xi1>
    %jit3A_371 = arith.constant 0.000000e+00 : bf16
    %broadcast_in_dim3A_372 = vector.broadcast %jit3A_371 : bf16 to vector<1x512xbf16>
    %select_n3A_373 = arith.select %and3A_370, %broadcast_in_dim3A_173, %broadcast_in_dim3A_372 : vector<1x512xi1>, vector<1x512xbf16>
    %add3A_374 = arith.addf %add3A_324, %select_n3A_373 : vector<1x512xbf16>
    %or3A_375 = arith.ori %or3A_366, %and3A_370 : vector<1x512xi1>
    %eq3A_376 = arith.cmpi eq, %broadcast_in_dim3A_113, %broadcast_in_dim3A_125 : vector<1x512xi16>
    %not3A_377 = arith.constant dense<true> : vector<1x512xi1>
    %not3A_378 = arith.xori %or3A_375, %not3A_377 : vector<1x512xi1>
    %and3A_379 = arith.andi %eq3A_376, %not3A_378 : vector<1x512xi1>
    %jit3A_380 = arith.constant 0.000000e+00 : bf16
    %broadcast_in_dim3A_381 = vector.broadcast %jit3A_380 : bf16 to vector<1x512xbf16>
    %select_n3A_382 = arith.select %and3A_379, %broadcast_in_dim3A_173, %broadcast_in_dim3A_381 : vector<1x512xi1>, vector<1x512xbf16>
    %add3A_383 = arith.addf %add3A_333, %select_n3A_382 : vector<1x512xbf16>
    %or3A_384 = arith.ori %or3A_375, %and3A_379 : vector<1x512xi1>
    %eq3A_385 = arith.cmpi eq, %broadcast_in_dim3A_119, %broadcast_in_dim3A_125 : vector<1x512xi16>
    %not3A_386 = arith.constant dense<true> : vector<1x512xi1>
    %not3A_387 = arith.xori %or3A_384, %not3A_386 : vector<1x512xi1>
    %and3A_388 = arith.andi %eq3A_385, %not3A_387 : vector<1x512xi1>
    %jit3A_389 = arith.constant 0.000000e+00 : bf16
    %broadcast_in_dim3A_390 = vector.broadcast %jit3A_389 : bf16 to vector<1x512xbf16>
    %select_n3A_391 = arith.select %and3A_388, %broadcast_in_dim3A_173, %broadcast_in_dim3A_390 : vector<1x512xi1>, vector<1x512xbf16>
    %add3A_392 = arith.addf %select_n3A_337, %select_n3A_391 : vector<1x512xbf16>
    %or3A_393 = arith.ori %or3A_384, %and3A_388 : vector<1x512xi1>
    %jit3A_394 = arith.constant 0.000000e+00 : bf16
    %broadcast_in_dim3A_395 = vector.broadcast %jit3A_394 : bf16 to vector<1x512xbf16>
    %select_n3A_396 = arith.select %or3A_393, %broadcast_in_dim3A_395, %broadcast_in_dim3A_173 : vector<1x512xi1>, vector<1x512xbf16>
    %broadcast_in_dim3A_397 = arith.constant false
    %broadcast_in_dim3A_398 = vector.broadcast %broadcast_in_dim3A_397 : i1 to vector<1x512xi1>
    %eq3A_399 = arith.cmpi eq, %broadcast_in_dim3A_89, %broadcast_in_dim3A_131 : vector<1x512xi16>
    %not3A_400 = arith.constant dense<true> : vector<1x512xi1>
    %not3A_401 = arith.xori %broadcast_in_dim3A_398, %not3A_400 : vector<1x512xi1>
    %and3A_402 = arith.andi %eq3A_399, %not3A_401 : vector<1x512xi1>
    %jit3A_403 = arith.constant 0.000000e+00 : bf16
    %broadcast_in_dim3A_404 = vector.broadcast %jit3A_403 : bf16 to vector<1x512xbf16>
    %select_n3A_405 = arith.select %and3A_402, %broadcast_in_dim3A_179, %broadcast_in_dim3A_404 : vector<1x512xi1>, vector<1x512xbf16>
    %add3A_406 = arith.addf %add3A_347, %select_n3A_405 : vector<1x512xbf16>
    %or3A_407 = arith.ori %broadcast_in_dim3A_398, %and3A_402 : vector<1x512xi1>
    %eq3A_408 = arith.cmpi eq, %broadcast_in_dim3A_95, %broadcast_in_dim3A_131 : vector<1x512xi16>
    %not3A_409 = arith.constant dense<true> : vector<1x512xi1>
    %not3A_410 = arith.xori %or3A_407, %not3A_409 : vector<1x512xi1>
    %and3A_411 = arith.andi %eq3A_408, %not3A_410 : vector<1x512xi1>
    %jit3A_412 = arith.constant 0.000000e+00 : bf16
    %broadcast_in_dim3A_413 = vector.broadcast %jit3A_412 : bf16 to vector<1x512xbf16>
    %select_n3A_414 = arith.select %and3A_411, %broadcast_in_dim3A_179, %broadcast_in_dim3A_413 : vector<1x512xi1>, vector<1x512xbf16>
    %add3A_415 = arith.addf %add3A_356, %select_n3A_414 : vector<1x512xbf16>
    %or3A_416 = arith.ori %or3A_407, %and3A_411 : vector<1x512xi1>
    %eq3A_417 = arith.cmpi eq, %broadcast_in_dim3A_101, %broadcast_in_dim3A_131 : vector<1x512xi16>
    %not3A_418 = arith.constant dense<true> : vector<1x512xi1>
    %not3A_419 = arith.xori %or3A_416, %not3A_418 : vector<1x512xi1>
    %and3A_420 = arith.andi %eq3A_417, %not3A_419 : vector<1x512xi1>
    %jit3A_421 = arith.constant 0.000000e+00 : bf16
    %broadcast_in_dim3A_422 = vector.broadcast %jit3A_421 : bf16 to vector<1x512xbf16>
    %select_n3A_423 = arith.select %and3A_420, %broadcast_in_dim3A_179, %broadcast_in_dim3A_422 : vector<1x512xi1>, vector<1x512xbf16>
    %add3A_424 = arith.addf %add3A_365, %select_n3A_423 : vector<1x512xbf16>
    %or3A_425 = arith.ori %or3A_416, %and3A_420 : vector<1x512xi1>
    %eq3A_426 = arith.cmpi eq, %broadcast_in_dim3A_107, %broadcast_in_dim3A_131 : vector<1x512xi16>
    %not3A_427 = arith.constant dense<true> : vector<1x512xi1>
    %not3A_428 = arith.xori %or3A_425, %not3A_427 : vector<1x512xi1>
    %and3A_429 = arith.andi %eq3A_426, %not3A_428 : vector<1x512xi1>
    %jit3A_430 = arith.constant 0.000000e+00 : bf16
    %broadcast_in_dim3A_431 = vector.broadcast %jit3A_430 : bf16 to vector<1x512xbf16>
    %select_n3A_432 = arith.select %and3A_429, %broadcast_in_dim3A_179, %broadcast_in_dim3A_431 : vector<1x512xi1>, vector<1x512xbf16>
    %add3A_433 = arith.addf %add3A_374, %select_n3A_432 : vector<1x512xbf16>
    %or3A_434 = arith.ori %or3A_425, %and3A_429 : vector<1x512xi1>
    %eq3A_435 = arith.cmpi eq, %broadcast_in_dim3A_113, %broadcast_in_dim3A_131 : vector<1x512xi16>
    %not3A_436 = arith.constant dense<true> : vector<1x512xi1>
    %not3A_437 = arith.xori %or3A_434, %not3A_436 : vector<1x512xi1>
    %and3A_438 = arith.andi %eq3A_435, %not3A_437 : vector<1x512xi1>
    %jit3A_439 = arith.constant 0.000000e+00 : bf16
    %broadcast_in_dim3A_440 = vector.broadcast %jit3A_439 : bf16 to vector<1x512xbf16>
    %select_n3A_441 = arith.select %and3A_438, %broadcast_in_dim3A_179, %broadcast_in_dim3A_440 : vector<1x512xi1>, vector<1x512xbf16>
    %add3A_442 = arith.addf %add3A_383, %select_n3A_441 : vector<1x512xbf16>
    %or3A_443 = arith.ori %or3A_434, %and3A_438 : vector<1x512xi1>
    %eq3A_444 = arith.cmpi eq, %broadcast_in_dim3A_119, %broadcast_in_dim3A_131 : vector<1x512xi16>
    %not3A_445 = arith.constant dense<true> : vector<1x512xi1>
    %not3A_446 = arith.xori %or3A_443, %not3A_445 : vector<1x512xi1>
    %and3A_447 = arith.andi %eq3A_444, %not3A_446 : vector<1x512xi1>
    %jit3A_448 = arith.constant 0.000000e+00 : bf16
    %broadcast_in_dim3A_449 = vector.broadcast %jit3A_448 : bf16 to vector<1x512xbf16>
    %select_n3A_450 = arith.select %and3A_447, %broadcast_in_dim3A_179, %broadcast_in_dim3A_449 : vector<1x512xi1>, vector<1x512xbf16>
    %add3A_451 = arith.addf %add3A_392, %select_n3A_450 : vector<1x512xbf16>
    %or3A_452 = arith.ori %or3A_443, %and3A_447 : vector<1x512xi1>
    %eq3A_453 = arith.cmpi eq, %broadcast_in_dim3A_125, %broadcast_in_dim3A_131 : vector<1x512xi16>
    %not3A_454 = arith.constant dense<true> : vector<1x512xi1>
    %not3A_455 = arith.xori %or3A_452, %not3A_454 : vector<1x512xi1>
    %and3A_456 = arith.andi %eq3A_453, %not3A_455 : vector<1x512xi1>
    %jit3A_457 = arith.constant 0.000000e+00 : bf16
    %broadcast_in_dim3A_458 = vector.broadcast %jit3A_457 : bf16 to vector<1x512xbf16>
    %select_n3A_459 = arith.select %and3A_456, %broadcast_in_dim3A_179, %broadcast_in_dim3A_458 : vector<1x512xi1>, vector<1x512xbf16>
    %add3A_460 = arith.addf %select_n3A_396, %select_n3A_459 : vector<1x512xbf16>
    %or3A_461 = arith.ori %or3A_452, %and3A_456 : vector<1x512xi1>
    %jit3A_462 = arith.constant 0.000000e+00 : bf16
    %broadcast_in_dim3A_463 = vector.broadcast %jit3A_462 : bf16 to vector<1x512xbf16>
    %select_n3A_464 = arith.select %or3A_461, %broadcast_in_dim3A_463, %broadcast_in_dim3A_179 : vector<1x512xi1>, vector<1x512xbf16>
    %iota3A_465 = tpu.iota {dimensions = array<i32: 0>} : vector<4096x512xi16>
    %broadcast_in_dim3A_466 = arith.constant 0.000000e+00 : bf16
    %broadcast_in_dim3A_467 = vector.broadcast %broadcast_in_dim3A_466 : bf16 to vector<4096x512xbf16>
    %eq3A_468 = vector.broadcast %broadcast_in_dim3A_131 : vector<1x512xi16> to vector<4096x512xi16>
    %eq3A_469 = arith.cmpi eq, %iota3A_465, %eq3A_468 : vector<4096x512xi16>
    %broadcast_in_dim3A_470 = vector.shape_cast %select_n3A_464 : vector<1x512xbf16> to vector<1x512xbf16>
    %broadcast_in_dim3A_471 = vector.broadcast %broadcast_in_dim3A_470 : vector<1x512xbf16> to vector<4096x512xbf16>
    %select_n3A_472 = arith.select %eq3A_469, %broadcast_in_dim3A_471, %broadcast_in_dim3A_467 : vector<4096x512xi1>, vector<4096x512xbf16>
    %eq3A_473 = vector.broadcast %broadcast_in_dim3A_125 : vector<1x512xi16> to vector<4096x512xi16>
    %eq3A_474 = arith.cmpi eq, %iota3A_465, %eq3A_473 : vector<4096x512xi16>
    %broadcast_in_dim3A_475 = vector.shape_cast %add3A_460 : vector<1x512xbf16> to vector<1x512xbf16>
    %broadcast_in_dim3A_476 = vector.broadcast %broadcast_in_dim3A_475 : vector<1x512xbf16> to vector<4096x512xbf16>
    %select_n3A_477 = arith.select %eq3A_474, %broadcast_in_dim3A_476, %select_n3A_472 : vector<4096x512xi1>, vector<4096x512xbf16>
    %eq3A_478 = vector.broadcast %broadcast_in_dim3A_119 : vector<1x512xi16> to vector<4096x512xi16>
    %eq3A_479 = arith.cmpi eq, %iota3A_465, %eq3A_478 : vector<4096x512xi16>
    %broadcast_in_dim3A_480 = vector.shape_cast %add3A_451 : vector<1x512xbf16> to vector<1x512xbf16>
    %broadcast_in_dim3A_481 = vector.broadcast %broadcast_in_dim3A_480 : vector<1x512xbf16> to vector<4096x512xbf16>
    %select_n3A_482 = arith.select %eq3A_479, %broadcast_in_dim3A_481, %select_n3A_477 : vector<4096x512xi1>, vector<4096x512xbf16>
    %eq3A_483 = vector.broadcast %broadcast_in_dim3A_113 : vector<1x512xi16> to vector<4096x512xi16>
    %eq3A_484 = arith.cmpi eq, %iota3A_465, %eq3A_483 : vector<4096x512xi16>
    %broadcast_in_dim3A_485 = vector.shape_cast %add3A_442 : vector<1x512xbf16> to vector<1x512xbf16>
    %broadcast_in_dim3A_486 = vector.broadcast %broadcast_in_dim3A_485 : vector<1x512xbf16> to vector<4096x512xbf16>
    %select_n3A_487 = arith.select %eq3A_484, %broadcast_in_dim3A_486, %select_n3A_482 : vector<4096x512xi1>, vector<4096x512xbf16>
    %eq3A_488 = vector.broadcast %broadcast_in_dim3A_107 : vector<1x512xi16> to vector<4096x512xi16>
    %eq3A_489 = arith.cmpi eq, %iota3A_465, %eq3A_488 : vector<4096x512xi16>
    %broadcast_in_dim3A_490 = vector.shape_cast %add3A_433 : vector<1x512xbf16> to vector<1x512xbf16>
    %broadcast_in_dim3A_491 = vector.broadcast %broadcast_in_dim3A_490 : vector<1x512xbf16> to vector<4096x512xbf16>
    %select_n3A_492 = arith.select %eq3A_489, %broadcast_in_dim3A_491, %select_n3A_487 : vector<4096x512xi1>, vector<4096x512xbf16>
    %eq3A_493 = vector.broadcast %broadcast_in_dim3A_101 : vector<1x512xi16> to vector<4096x512xi16>
    %eq3A_494 = arith.cmpi eq, %iota3A_465, %eq3A_493 : vector<4096x512xi16>
    %broadcast_in_dim3A_495 = vector.shape_cast %add3A_424 : vector<1x512xbf16> to vector<1x512xbf16>
    %broadcast_in_dim3A_496 = vector.broadcast %broadcast_in_dim3A_495 : vector<1x512xbf16> to vector<4096x512xbf16>
    %select_n3A_497 = arith.select %eq3A_494, %broadcast_in_dim3A_496, %select_n3A_492 : vector<4096x512xi1>, vector<4096x512xbf16>
    %eq3A_498 = vector.broadcast %broadcast_in_dim3A_95 : vector<1x512xi16> to vector<4096x512xi16>
    %eq3A_499 = arith.cmpi eq, %iota3A_465, %eq3A_498 : vector<4096x512xi16>
    %broadcast_in_dim3A_500 = vector.shape_cast %add3A_415 : vector<1x512xbf16> to vector<1x512xbf16>
    %broadcast_in_dim3A_501 = vector.broadcast %broadcast_in_dim3A_500 : vector<1x512xbf16> to vector<4096x512xbf16>
    %select_n3A_502 = arith.select %eq3A_499, %broadcast_in_dim3A_501, %select_n3A_497 : vector<4096x512xi1>, vector<4096x512xbf16>
    %eq3A_503 = vector.broadcast %broadcast_in_dim3A_89 : vector<1x512xi16> to vector<4096x512xi16>
    %eq3A_504 = arith.cmpi eq, %iota3A_465, %eq3A_503 : vector<4096x512xi16>
    %broadcast_in_dim3A_505 = vector.shape_cast %add3A_406 : vector<1x512xbf16> to vector<1x512xbf16>
    %broadcast_in_dim3A_506 = vector.broadcast %broadcast_in_dim3A_505 : vector<1x512xbf16> to vector<4096x512xbf16>
    %select_n3A_507 = arith.select %eq3A_504, %broadcast_in_dim3A_506, %select_n3A_502 : vector<4096x512xi1>, vector<4096x512xbf16>
    %jit3A_508 = arith.constant 2 : i32
    %eq3A_509 = arith.constant 0 : i32
    %eq3A_510 = arith.cmpi eq, %jit3A_508, %eq3A_509 : i32
    %jit3A_511 = arith.constant 1 : i32
    %select_n3A_512 = arith.select %eq3A_510, %jit3A_511, %jit3A_508 : i32
    %rem3A_513 = arith.remsi %arg0, %select_n3A_512 : i32
    %ne3A_514 = arith.constant 0 : i32
    %ne3A_515 = arith.cmpi ne, %rem3A_513, %ne3A_514 : i32
    %lt3A_516 = arith.constant 0 : i32
    %lt3A_517 = arith.cmpi slt, %rem3A_513, %lt3A_516 : i32
    %lt3A_518 = arith.constant 0 : i32
    %lt3A_519 = arith.cmpi slt, %select_n3A_512, %lt3A_518 : i32
    %ne3A_520 = arith.xori %lt3A_517, %lt3A_519 : i1
    %and3A_521 = arith.andi %ne3A_520, %ne3A_515 : i1
    %add3A_522 = arith.addi %rem3A_513, %select_n3A_512 : i32
    %select_n3A_523 = arith.select %and3A_521, %add3A_522, %rem3A_513 : i32
    %swap3A_524 = arith.index_cast %select_n3A_523 : i32 to index
    %swap3A_525 = arith.constant 0 : index
    %swap3A_526 = arith.constant 0 : index
    %swap3A_527 = vector.load %arg9[%swap3A_524, %swap3A_525, %swap3A_526] : memref<2x4096x512xbf16, #tpu.memory_space<vmem>>, vector<1x4096x512xbf16>
    %swap3A_528 = vector.shape_cast %swap3A_527 : vector<1x4096x512xbf16> to vector<4096x512xbf16>
    %swap3A_529 = vector.shape_cast %select_n3A_507 : vector<4096x512xbf16> to vector<1x4096x512xbf16>
    tpu.vector_store %arg9[%swap3A_524, %swap3A_525, %swap3A_526], %swap3A_529 {strides = array<i32>} : memref<2x4096x512xbf16, #tpu.memory_space<vmem>>, vector<1x4096x512xbf16>,
    return
  }
  func.func @transform_0(%arg0: i32) -> (i32, i32, i32) {
    %min3A = arith.constant 15 : i32
    %min3A_0 = arith.minsi %arg0, %min3A : i32
    %c0_i32 = arith.constant 0 : i32
    %c0_i32_1 = arith.constant 0 : i32
    %c0_i32_2 = arith.constant 0 : i32
    return %min3A_0, %c0_i32, %c0_i32_1 : i32, i32, i32
  }
  func.func @transform_1(%arg0: i32) -> (i32, i32, i32) {
    %min3A = arith.constant 15 : i32
    %min3A_0 = arith.minsi %arg0, %min3A : i32
    %c0_i32 = arith.constant 0 : i32
    %c0_i32_1 = arith.constant 0 : i32
    %c0_i32_2 = arith.constant 0 : i32
    return %min3A_0, %c0_i32, %c0_i32_1 : i32, i32, i32
  }
  func.func @transform_2(%arg0: i32) -> (i32, i32, i32) {
    %sub3A = arith.constant 1 : i32
    %sub3A_0 = arith.subi %arg0, %sub3A : i32
    %max3A = arith.constant 0 : i32
    %max3A_1 = arith.maxsi %sub3A_0, %max3A : i32
    %c0_i32 = arith.constant 0 : i32
    %c0_i32_2 = arith.constant 0 : i32
    %c0_i32_3 = arith.constant 0 : i32
    return %max3A_1, %c0_i32, %c0_i32_2 : i32, i32, i32
  }
  func.func @transform_3(%arg0: i32) -> (i32, i32, i32) {
    %sub3A = arith.constant 1 : i32
    %sub3A_0 = arith.subi %arg0, %sub3A : i32
    %max3A = arith.constant 0 : i32
    %max3A_1 = arith.maxsi %sub3A_0, %max3A : i32
    %c0_i32 = arith.constant 0 : i32
    %c0_i32_2 = arith.constant 0 : i32
    %c0_i32_3 = arith.constant 0 : i32
    return %max3A_1, %c0_i32, %c0_i32_2 : i32, i32, i32
  }
  func.func @transform_4(%arg0: i32) -> (i32, i32, i32) {
    %sub3A = arith.constant 1 : i32
    %sub3A_0 = arith.subi %arg0, %sub3A : i32
    %max3A = arith.constant 0 : i32
    %max3A_1 = arith.maxsi %sub3A_0, %max3A : i32
    %c0_i32 = arith.constant 0 : i32
    %c0_i32_2 = arith.constant 0 : i32
    %c0_i32_3 = arith.constant 0 : i32
    return %max3A_1, %c0_i32, %c0_i32_2 : i32, i32, i32
  }
  func.func @transform_5(%arg0: i32) -> (i32, i32) {
    %c0_i32 = arith.constant 0 : i32
    %c0_i32_0 = arith.constant 0 : i32
    %c0_i32_1 = arith.constant 0 : i32
    return %c0_i32, %c0_i32_0 : i32, i32
  }
  func.func @transform_6(%arg0: i32) -> (i32, i32) {
    %sub3A = arith.constant 1 : i32
    %sub3A_0 = arith.subi %arg0, %sub3A : i32
    %max3A = arith.constant 0 : i32
    %max3A_1 = arith.maxsi %sub3A_0, %max3A : i32
    %c0_i32 = arith.constant 0 : i32
    %c0_i32_2 = arith.constant 0 : i32
    return %c0_i32, %max3A_1 : i32, i32
  }
  func.func @transform_7(%arg0: i32) -> (i32, i32) {
    %sub3A = arith.constant 1 : i32
    %sub3A_0 = arith.subi %arg0, %sub3A : i32
    %max3A = arith.constant 0 : i32
    %max3A_1 = arith.maxsi %sub3A_0, %max3A : i32
    %jit3A = arith.constant 2 : i32
    %div3A = arith.divsi %max3A_1, %jit3A : i32
    %sign3A = arith.constant 0 : i32
    %sign3A_2 = arith.cmpi sgt, %max3A_1, %sign3A : i32
    %sign3A_3 = arith.extui %sign3A_2 : i1 to i32
    %sign3A_4 = arith.constant 0 : i32
    %sign3A_5 = arith.cmpi slt, %max3A_1, %sign3A_4 : i32
    %sign3A_6 = arith.extui %sign3A_5 : i1 to i32
    %sign3A_7 = arith.subi %sign3A_3, %sign3A_6 : i32
    %sign3A_8 = arith.constant 0 : i32
    %sign3A_9 = arith.cmpi sgt, %jit3A, %sign3A_8 : i32
    %sign3A_10 = arith.extui %sign3A_9 : i1 to i32
    %sign3A_11 = arith.constant 0 : i32
    %sign3A_12 = arith.cmpi slt, %jit3A, %sign3A_11 : i32
    %sign3A_13 = arith.extui %sign3A_12 : i1 to i32
    %sign3A_14 = arith.subi %sign3A_10, %sign3A_13 : i32
    %ne3A = arith.cmpi ne, %sign3A_7, %sign3A_14 : i32
    %rem3A = arith.remsi %max3A_1, %jit3A : i32
    %ne3A_15 = arith.constant 0 : i32
    %ne3A_16 = arith.cmpi ne, %rem3A, %ne3A_15 : i32
    %and3A = arith.andi %ne3A, %ne3A_16 : i1
    %sub3A_17 = arith.constant 1 : i32
    %sub3A_18 = arith.subi %div3A, %sub3A_17 : i32
    %select_n3A = arith.select %and3A, %sub3A_18, %div3A : i32
    %c0_i32 = arith.constant 0 : i32
    %c0_i32_19 = arith.constant 0 : i32
    return %c0_i32, %select_n3A : i32, i32
  }
}

</mosaic_0001>

<sc_bundles>
// kernel: sparse-core-data-format-call.cloned.1.call-start
scs
called_computation_lowered:
.L_overlay_start_0:
0x0: {  	s2 =	sld [smem:$0x3FD9]  }
0x1: {  	s3 =	sld [smem:$0x3FFE];
	_ =	sdelay $0x1  }
0x2: {  	s1 =	srdreg.scid  }
0x3: {  	s0 =	sand.u32 $0x1, s1  }
0x4: {  	s15 =	sshll.u32 s0, $0xA;
	s2 =	sadd.s32 s3, s2  }
0x5: {  	s2 =	sadd.s32 s2, s15  }
0x6: {  	[smem:$0x3FC2] =	sst s2  }
0x7: {  	_ = 	snop  }
0x8: {  	s2 =	sld [smem:$0x3FD0];
	_ =	sdelay $0x2  }
0x9: {  	s16 =	simm.s32 $0xA;
	s4 =	simm.s32 $0x10  }
0xa: {  	[smem:s4], [sflag:s16] =	dma.local [hbm:s2], $0x1  }
0xb: {  	_ =	swait.eq [sflag:s16], $0x1  }
0xc: {  	[sflag:s16] =	ssyncset.done $0x0  }
0xd: {  	[sflag:s16] =	ssyncadd.s32 $0xFFFFFFFF  }
0xe: {  	s17 =	sld [smem:$0x11];
	(tm) =	ssettm $0x1  }
0xf: {  	s18 =	sld [smem:$0x3FFB];
	_ =	sdelay $0x3  }
0x10: {  	_ =	strace s18  }
0x11: {  	s3 =	sld [smem:$0x3FFC];
	_ =	sdelay $0x3  }
0x12: {  	_ =	strace s3  }
0x13: {  	s3 =	sld [smem:$0x3FFD];
	_ =	sdelay $0x3  }
0x14: {  	_ =	strace s3  }
0x15: {  	_ =	strace $0x8FFFFFFF  }
0x16: {  	s19 =	sld [smem:$0x3FDB];
	_ =	sdelay $0x1  }
0x17: {  	s20 =	simm.s32 $_scs_section_size  }
0x18: {  	s5 =	simm.s32 $_size__tile_overlayer_lowered;
	s6 =	simm.s32 $_tile_overlayer_lowered  }
0x19: {  	s23 =	simm.s32 $0x1BFF;
	s22 =	sshll.u32 s6, $0x1;
	s3 =	sadd.s32 s20, s19  }
0x1a: {  	s7 =	simm.s32 $0x0;
	s21 =	sshll.u32 s5, $0x1;
	s5 =	sadd.s32 s22, s3  }
0x1b: {  	[timem:s7], [sflag:s23] =	dma.local [hbm:s5], s21  }
0x1c: {  	_ =	swait.ge [sflag:s23], s21  }
0x1d: {  	s4 =	ssub.s32 $0x0, s21;
	[sflag:s23] =	ssyncset.done $0x0  }
0x1e: {  	[sflag:s23] =	ssyncadd.s32 s4;
	_ =	sdelay $0x1  }
0x1f: {  	s24 =	simm.s32 $0x1B8B  }
0x20: {  	_ =	swait.ge [sflag:s24], $0x1  }
0x21: {  	[sflag:s24] =	ssyncset.done $0x0  }
0x22: {  	s26 =	simm.s32 $0x1B8E;
	s25 =	sld [smem:$0x3FFE];
	[sflag:s24] =	ssyncadd.s32 $0xFFFFFFFF  }
0x23: {  	s27 =	simm.s32 $execute0_lowered;
	[smem:$0x3FD2] =	sst s26  }
0x24: {  	s5 =	sshll.u32 s27, $0x1;
	_ =	strace $0x80000046;
	[dreg:$0x1] =	wrdreg $0xFFFFFFFF  }
0x25: {  	s28 =	simm.s32 $_size_execute0_lowered;
	s3 =	sadd.s32 s3, s5;
	[dreg:$0x0] =	wrdreg $0x0  }
0x26: {  	s5 =	sshll.u32 s28, $0x1;
	[dreg:$0x2] =	wrdreg s3  }
0x27: {  	[dreg:$0x3] =	wrdreg s5  }
0x28: {  	[dreg:$0x4] =	wrdreg $0xC0  }
0x29: {  	_ =	task [dreg:s7], $0x5FFFF  }
0x2a: {  	[dreg:$0x1] =	wrdreg $0xFFFFFFFF  }
0x2b: {  	[dreg:$0x0] =	wrdreg $0x60  }
0x2c: {  	[dreg:$0x2] =	wrdreg s25  }
0x2d: {  	[dreg:$0x3] =	wrdreg s17  }
0x2e: {  	[dreg:$0x4] =	wrdreg $0x9  }
0x2f: {  	_ =	task.clear_ibuf [dreg:s7], $0x5FFFF;
	_ =	strace $0x90000046  }
0x30: {  	s29 =	simm.s32 $0x9;
	_ =	strace $0x80000048  }
0x31: {  	_ =	swait.ge [sflag:s29], $0x1  }
0x32: {  	[sflag:s29] =	ssyncadd.s32 $0xFFFFFFFF  }
0x33: {  	_ =	strace $0x90000048  }
0x34: {  	_ =	sfence  }
0x35: {  	s30 =	sld [smem:$0x0];
	_ =	sdelay $0x2  }
0x36: {  	s31 =	sshll.u32 s1, $0xD;
	s1 =	sshrl.u32 s1, $0x2  }
0x37: {  	s3 =	sand.u32 $0x4000, s31;
	s1 =	sadd.s32 s1, s30  }
0x38: {  	s0 =	sor.u32 s3, s0;
	s1 =	sshll.u32 s1, $0x11  }
0x39: {  	s0 =	sor.u32 s1, s0  }
0x3a: {  	s0 =	sadd.s32 $0x8F2B, s0  }
0x3b: {  	[sflag:s0] =	ssyncadd.remote.s32 $0x1  }
0x3c: {  	_ =	sfence.sel $0xFFFF  }
0x3d: {  	[dreg:$0x0] =	wrdreg $0xFFFFFFFF;
	(pc) =	sbr.abs _section_cstart, $3  }
0x3e: {  	[dreg:$0x1] =	wrdreg $0xFFFFFFFF  }
0x3f: {  	_ =	task.clear_ibuf [dreg:s7], $0x2FFFF;
	_ =	strace $0x9FFFFFFF  }
0x40: {  	(tm) =	ssettm $0x7FFFFFFF  }
0x41: {  	_ =	shalt  }
tec
execute0_lowered:
.L_overlay_start_1:
0x0: {  	(tag) =	ssettag $0x1  }
0x1: {  	s4 =	rddreg [dreg:$0x0]  }
0x2: {  	s0 =	stileid.u32;
	s2 =	rddreg [dreg:$0x1]  }
0x3: {  	s1 =	rddreg [dreg:$0x2];
	_ =	strace $0x80000047;
	s5 =	srdreg.scid  }
0x4: {  	s31 =	simm.s32 $0x2;
	s14 =	simm.s32 $0x0;
	s9 =	simm.s32 $0x2000  }
0x5: {  	s16 =	simm.s32 $0x0;
	s15 =	simm.s32 $0x0;
	s3 =	sshll.u32 s0, $0x7  }
0x6: {  	s10 =	simm.s32 $0x0;
	s5 =	sshll.u32 s5, $0x4;
	s3 =	sand.u32 $0x380, s3  }
0x7: {  	s13 =	simm.s32 $0x0;
	s5 =	sand.u32 $0x10, s5;
	s6 =	ssub.s32 $0x400, s3  }
0x8: {  	s4 =	sadd.s32 $0x800, s4;
	s5 =	sor.u32 s0, s5;
	s7 =	sand.u32 $0x380, s6  }
.Ltmp0:
0x9: {  	p0 =	sne.s32 s7, $0x0;
	s7 =	simm.s32 $0x1;
	(pc) =	sbr.rel .LBB1_1-.Ltmp0, $4  }
0xa: {  	s12 =	smov.u32 s3;
	s8 =	sshrl.u32 s6, $0xA;
	s7 =	simm.s32 @!p0 $0x0  }
0xb: {  	s5 =	sshrl.u32 s5, $0x3;
	s6 =	simm.s32 $0x1;
	s7 =	sadd.s32 s7, s8  }
0xc: {  	[sflag:s6] =	ssyncpa.u1 $0x0;
	s11 =	smov.u32 s5;
	s7 =	sshll.u32 s7, $0x5  }
0xd: {  	[sflag:s31] =	ssyncpa.u1 $0x0;
	p0 =	por $0x0, $0x0;
	s8 =	sor.u32 $0x1, s7  }
.LBB1_4:
0xe: {  	v5 =	vld [tilespmem:s20+$0xFFFFFFD0];
	[tilespmem:s19+$0x2040 ss:$0x81] =	vst.msk $0xffff, v1  }
0xf: {  	v58 =	vld [tilespmem:s20+$0xFFFFFFE0];
	[tilespmem:s19+$0x2850 ss:$0x81] =	vst.msk $0xffff, v2  }
0x10: {  	s21 =	sshra.s32 s21, $0x2;
	v59 =	vld [tilespmem:s20+$0xFFFFFFF0];
	[tilespmem:s19+$0x3060 ss:$0x81] =	vst.msk $0xffff, v3  }
0x11: {  	v60 =	vld [tilespmem:s20+$0x0];
	[tilespmem:s19+$0x0 ss:$0x81] =	vst.msk $0xffff, v0;
	s18 =	sadd.s32 s21, s18  }
0x12: {  	v61 =	vld [tilespmem:s20+$0x10];
	[tilespmem:s18+$0x3870 ss:$0x81] =	vst.msk $0xffff, v4  }
0x13: {  	v62 =	vld [tilespmem:s20+$0x20];
	[tilespmem:s18+$0x810 ss:$0x81] =	vst.msk $0xffff, v5  }
0x14: {  	v63 =	vld [tilespmem:s20+$0xFFFFFFC0];
	[tilespmem:s18+$0x1020 ss:$0x81] =	vst.msk $0xffff, v58  }
0x15: {  	s16 =	sshll.u32 s16, $0x7;
	s29 =	sand.u32 $0x78, s15;
	[tilespmem:s18+$0x1830 ss:$0x81] =	vst.msk $0xffff, v59  }
0x16: {  	s30 =	sand.u32 $0x380, s15;
	s14 =	sshll.u32 s14, $0xA;
	s16 =	sand.u32 $0x380, s16;
	[tilespmem:s18+$0x2040 ss:$0x81] =	vst.msk $0xffff, v60  }
0x17: {  	s31 =	sand.u32 $0x7, s15;
	s19 =	sadd.s32 s2, s30;
	s16 =	sor.u32 s29, s16;
	[tilespmem:s18+$0x2850 ss:$0x81] =	vst.msk $0xffff, v61  }
0x18: {  	s15 =	sshll.u32 s31, $0x12;
	s14 =	sadd.s32 s14, s19;
	s16 =	sshrl.u32 s16, $0x3;
	[tilespmem:s18+$0x3060 ss:$0x81] =	vst.msk $0xffff, v62  }
0x19: {  	s15 =	sor.u32 $0x80, s15;
	s14 =	sadd.s32 s16, s14;
	[tilespmem:s18+$0x0 ss:$0x81] =	vst.msk $0xffff, v63  }
0x1a: {  	[hbm4b:s14+s15] =	stream.strided.scatter [tilespmem:s17], [sflag:$0x2], $0x4000, s9, s15, $0x20;
	[tilespmem:$0x10100] =	vst v63  }
.LBB1_5:
0x1b: {  	s17 =	sadd.s32 $0x80, s10  }
0x1c: {  	s14 =	sadd.s32 $0x4, s11;
	s18 =	smov.u32 s11;
	p2 =	sgt.s32 s17, $0x7FF  }
0x1d: {  	s18 =	smov.u32 @p2 s14  }
0x1e: {  	s20 =	smov.u32 s12;
	s14 =	sadd.s32 $0x400, s12;
	p3 =	sgt.s32 s18, $0x7  }
0x1f: {  	s20 =	smov.u32 @p3 s14  }
0x20: {  	s17 =	simm.s32 @p2 $0x0;
	p2 =	sgt.s32 s20, $0x3FF  }
0x21: {  	p1 =	slt.u32 s13, $0x2;
	s20 =	smov.u32 @p2 s3;
	p2 =	sne.s32 s13, s8  }
.Ltmp1:
0x22: {  	s19 =	simm.s32 @!p1 $0x2;
	(pc) =	sbr.rel @!p2 .LBB1_6-.Ltmp1, $4  }
0x23: {  	s16 =	smov.u32 s11;
	s15 =	smov.u32 s12;
	_ =	swait.ge @!p1 [sflag:s19], $0x4000  }
0x24: {  	p0 =	por !p0, !p0;
	[sflag:s19] =	ssyncset.done @!p1 $0x0;
	s18 =	smov.u32 @p3 s5  }
0x25: {  	s14 =	smov.u32 s10;
	[sflag:s19] =	ssyncadd.s32 @!p1 $0xFFFFC000;
	s10 =	smov.u32 s17  }
0x26: {  	s11 =	smov.u32 s18;
	s13 =	sadd.s32 $0x1, s13;
	s12 =	smov.u32 s20  }
.LBB1_1:
0x27: {  	p1 =	sge.u32 s13, s7  }
0x28: {  	s31 =	sadd.s32 $0xFFFFFFFF, s13;
	s17 =	sxor.u32 @!p1 $0xFFFFFFFF, s13;
	s18 =	sshll.u32 @!p1 s11, $0x7  }
0x29: {  	s19 =	sand.u32 @!p1 $0x78, s10;
	s20 =	sshll.u32 @!p1 s10, $0x3;
	s18 =	sand.u32 @!p1 $0x380, s18  }
0x2a: {  	s20 =	sand.u32 @!p1 $0x400, s20;
	s18 =	sor.u32 @!p1 s18, s19;
	s19 =	sshll.u32 @!p1 s12, $0xB  }
0x2b: {  	s18 =	sor.u32 @!p1 s20, s18;
	s20 =	sand.u32 @!p1 $0x700, s10;
	s19 =	sadd.s32 @!p1 s4, s19  }
0x2c: {  	s17 =	sshll.u32 @!p1 s17, $0xE;
	s19 =	sadd.s32 @!p1 s20, s19;
	s20 =	sand.u32 @!p1 $0x7, s10  }
0x2d: {  	s17 =	sand.u32 @!p1 $0x4000, s17;
	s18 =	sshrl.u32 @!p1 s18, $0x3;
	s20 =	sshll.u32 @!p1 s20, $0x12  }
0x2e: {  	s18 =	sadd.s32 @!p1 s18, s19;
	s19 =	sor.u32 @!p1 $0x80, s20;
	s20 =	simm.s32 @!p1 $0x4000  }
0x2f: {  	[tilespmem:s17], [sflag:$0x1] =	stream.strided.gather @!p1 [hbm4b:s18+s19], $0x4000, s20, s19, $0x38;
	[tilespmem:$0x10100] =	vst v63  }
0x30: {  	p1 =	sge.u32 s31, s7  }
.Ltmp2:
0x31: {  	_ = 	snop;
	(pc) =	sbr.rel @p1 .LBB1_5-.Ltmp2, $1  }
0x32: {  	_ =	sdelay $0x3  }
0x33: {  	s17 =	simm.s32 $0x1  }
0x34: {  	_ =	swait.ge [sflag:s6], $0x4000;
	s17 =	simm.s32 @!p0 $0x0  }
0x35: {  	[sflag:s6] =	ssyncset.done $0x0;
	s18 =	sshll.u32 s17, $0xE  }
0x36: {  	[sflag:s6] =	ssyncadd.s32 $0xFFFFC000;
	s20 =	sor.u32 $0x40, s18  }
0x37: {  	s17 =	smul.u32 $0x10200, s17;
	v0 =	vld [tilespmem:s20+$0x30]  }
0x38: {  	v3 =	vld [tilespmem:s20+$0xFFFFFFD0]  }
0x39: {  	s17 =	sshrl.u32 s17, $0x2;
	v4 =	vld [tilespmem:s20+$0xFFFFFFE0]  }
0x3a: {  	v5 =	vld [tilespmem:s20+$0xFFFFFFF0];
	s18 =	sor.u32 $0x8000, s17  }
0x3b: {  	s31 =	sand.u32 $0x1, s13;
	v1 =	vld [tilespmem:s20+$0x0];
	s19 =	sadd.s32 $0x0, s18  }
0x3c: {  	v2 =	vld [tilespmem:s20+$0x10];
	s17 =	smul.u32 $0x10200, s31;
	[tilespmem:s19+$0x3870 ss:$0x81] =	vst.msk $0xffff, v0  }
0x3d: {  	[tilespmem:s19+$0x810 ss:$0x81] =	vst.msk $0xffff, v3;
	v3 =	vld [tilespmem:s20+$0x20]  }
0x3e: {  	s17 =	sshrl.u32 s17, $0x2;
	v0 =	vld [tilespmem:s20+$0xFFFFFFC0];
	[tilespmem:s19+$0x1020 ss:$0x81] =	vst.msk $0xffff, v4;
	s20 =	sadd.s32 $0x80, s20  }
0x3f: {  	s21 =	simm.s32 $0x4;
	s22 =	simm.s32 $0x8;
	s17 =	sor.u32 $0x8000, s17;
	[tilespmem:s19+$0x1830 ss:$0x81] =	vst.msk $0xffff, v5;
	v4 =	vld [tilespmem:s20+$0x30]  }
.LBB1_3:
0x40: {  	p1 =	sne.s32 s22, $0x1FC;
	v5 =	vld [tilespmem:s20+$0xFFFFFFD0];
	[tilespmem:s19+$0x2040 ss:$0x81] =	vst.msk $0xffff, v1  }
0x41: {  	v6 =	vld [tilespmem:s20+$0xFFFFFFE0];
	[tilespmem:s19+$0x2850 ss:$0x81] =	vst.msk $0xffff, v2  }
0x42: {  	s23 =	sshra.s32 s21, $0x2;
	s21 =	smov.u32 s22;
	v7 =	vld [tilespmem:s20+$0xFFFFFFF0];
	[tilespmem:s19+$0x3060 ss:$0x81] =	vst.msk $0xffff, v3  }
.Ltmp3:
0x43: {  	v1 =	vld [tilespmem:s20+$0x0];
	[tilespmem:s19+$0x0 ss:$0x81] =	vst.msk $0xffff, v0;
	s19 =	sadd.s32 s23, s18;
	(pc) =	sbr.rel @p1 .LBB1_3-.Ltmp3, $4  }
0x44: {  	v2 =	vld [tilespmem:s20+$0x10];
	[tilespmem:s19+$0x3870 ss:$0x81] =	vst.msk $0xffff, v4  }
0x45: {  	[tilespmem:s19+$0x810 ss:$0x81] =	vst.msk $0xffff, v5;
	v3 =	vld [tilespmem:s20+$0x20]  }
0x46: {  	v0 =	vld [tilespmem:s20+$0xFFFFFFC0];
	[tilespmem:s19+$0x1020 ss:$0x81] =	vst.msk $0xffff, v6;
	s20 =	sadd.s32 $0x80, s20  }
0x47: {  	s22 =	sadd.s32 $0x4, s22;
	v4 =	vld [tilespmem:s20+$0x30];
	[tilespmem:s19+$0x1830 ss:$0x81] =	vst.msk $0xffff, v7  }
.Ltmp4:
0x48: {  	_ = 	snop;
	(pc) =	sbr.rel .LBB1_4-.Ltmp4, $1  }
0x49: {  	_ =	sdelay $0x3  }
.LBB1_6:
0x4a: {  	_ =	sfence.sel $0x180000  }
0x4b: {  	s2 =	simm.s32 $0x1;
	[bflag:$0x0] =	sbarrier.arrive $0xFFFF  }
0x4c: {  	s31 =	simm.s32 $0x2;
	[sflag:s2] =	ssyncpa.u1 $0x1  }
0x4d: {  	[sflag:s31] =	ssyncpa.u1 $0x1  }
0x4e: {  	p0 =	sne.s32 s0, $0x0;
	_ =	strace $0x90000047  }
0x4f: {  	s0 =	sadd.s32 @!p0 $0x100000, s1;
	[bflag:$0x2] =	sbarrier.arrive $0xFFFF  }
0x50: {  	[sflag:s0] =	ssyncadd.tile.s32 @!p0 $0x1;
	_ =	shalt  }
.Lfunc_end1:
_tile_overlayer_lowered:
.L_overlay_start_2:
0x51: {  	(tag) =	ssettag $0x2  }
0x52: {  	s0 =	rddreg [dreg:$0x0];
	s2 =	stileid.u32  }
0x53: {  	s1 =	rddreg [dreg:$0x1];
	p0 =	sne.s32 s2, $0x0  }
0x54: {  	s3 =	rddreg [dreg:$0x2];
	[bflag:$0x3] =	sbarrier.arrive $0xFFFF;
	s2 =	simm.s32 @!p0 $0x1C01  }
0x55: {  	[timem:s3], [sflag:s2] =	dma.local @!p0 [hbm:s0], s1  }
0x56: {  	s0 =	simm.s32 @!p0 $0x1  }
0x57: {  	_ =	swait.ge @!p0 [sflag:s0], s1  }
0x58: {  	s1 =	ssub.s32 @!p0 $0x0, s1;
	[sflag:s0] =	ssyncset.done @!p0 $0x0  }
0x59: {  	[sflag:s0] =	ssyncadd.s32 @!p0 s1  }
0x5a: {  	[bflag:$0x3] =	sbarrier.arrive $0xFFFF  }
0x5b: {  	_ =	shalt  }

</sc_bundles>
